<compile_context>
chip_gen: v7x
topology: tpu7x:2x2x1
jax: 0.10.2.dev20260603
libtpu: 0.0.44.dev20260713+nightly
codegen_flags: <defaults>
</compile_context>

<pallas_src>
import functools

import jax
import jax.numpy as jnp
from jax import lax
from jax.experimental import pallas as pl
from jax.experimental.pallas import tpu as pltpu
from jax.experimental.pallas import tpu_sc as plsc

B, D, T = 8, 1024, 1024
K, C = 8192, 32
TT = 512
NTC = T // TT
NT = B * NTC
KC = 2048
Z = float(C * T)

SC_NC, SC_NS = 2, 16
NW = SC_NC * SC_NS
ROWS_PER_W = (B * T) // NW
IDX_CH = 128
NCH = ROWS_PER_W // IDX_CH


def _stage_a_body(z_ref, in_v_ref, in_g_ref, in_b_ref, cb_ref, cbt_ref,
                  ze_ref, idx_ref):
    iv = in_v_ref[...]
    v2 = jnp.sum(iv * iv, axis=1, keepdims=True)
    w = in_g_ref[...] * iv / jnp.maximum(jnp.sqrt(v2), 1e-12)
    zt = z_ref[0]
    ze = lax.dot_general(w.astype(jnp.bfloat16), zt.astype(jnp.bfloat16),
                         (((1,), (0,)), ((), ())),
                         preferred_element_type=jnp.float32)
    ze = ze + in_b_ref[...]
    ze_ref[0] = ze
    x2 = ze * ze
    r = ((x2[0:8, :] + x2[8:16, :]) + x2[16:24, :]) + x2[24:32, :]
    s4 = r[0:4, :] + r[4:8, :]
    s2 = s4[0:2, :] + s4[2:4, :]
    n2 = s2[0:1, :] + s2[1:2, :]
    nrm = jnp.maximum(jnp.sqrt(n2), 1e-12)
    enc = ze * (1.0 / nrm)
    encd = ze / nrm
    rn2 = jnp.sum(encd * encd, axis=0, keepdims=True)

    def chunk(j, carry):
        best_d, best_i = carry
        cbt = cbt_ref[:, pl.ds(j * KC, KC)]
        c2t = jnp.sum(cbt * cbt, axis=0, keepdims=True)
        cbn_t = cbt * (1.0 / jnp.maximum(jnp.sqrt(c2t), 1e-12))
        cb = cb_ref[pl.ds(j * KC, KC), :]
        c2 = jnp.sum(cb * cb, axis=1, keepdims=True)
        cbn = cb / jnp.maximum(jnp.sqrt(c2), 1e-12)
        cn2 = jnp.sum(cbn * cbn, axis=1, keepdims=True)
        s = lax.dot_general(cbn_t, enc, (((0,), (0,)), ((), ())),
                            preferred_element_type=jnp.float32)
        d = (rn2 - 2.0 * s) + cn2
        m = jnp.min(d, axis=0, keepdims=True)
        io = lax.broadcasted_iota(jnp.int32, (KC, TT), 0) + j * KC
        ci = jnp.min(jnp.where(d == m, io, K), axis=0, keepdims=True)
        upd = m < best_d
        return jnp.where(upd, m, best_d), jnp.where(upd, ci, best_i)

    best_d = jnp.full((1, TT), jnp.inf, jnp.float32)
    best_i = jnp.zeros((1, TT), jnp.int32)
    _, best_i = lax.fori_loop(0, K // KC, chunk, (best_d, best_i))
    idx_ref[0] = best_i


def _stage_c_body(zq_ref, ze_ref, out_v_ref, out_g_ref, out_b_ref,
                  out_ref, loss_ref):
    ov = out_v_ref[...]
    v2 = jnp.sum(ov * ov, axis=1, keepdims=True)
    ow = out_g_ref[...] * ov / jnp.maximum(jnp.sqrt(v2), 1e-12)
    zq = zq_ref[:, :C].T
    ze = ze_ref[0]
    zq_st = ze + (zq - ze)
    out = lax.dot_general(ow, zq_st, (((1,), (0,)), ((), ())),
                          preferred_element_type=jnp.float32)
    out_ref[0] = out + out_b_ref[...]
    diff = ze - zq
    part = jnp.sum(diff * diff)
    tc = pl.program_id(0) % NTC

    @pl.when(tc == 0)
    def _():
        loss_ref[...] = jnp.full((1, 1, 128), part, jnp.float32)

    if NTC > 2:
        @pl.when(jnp.logical_and(tc > 0, tc < NTC - 1))
        def _():
            loss_ref[...] = loss_ref[...] + part

    @pl.when(tc == NTC - 1)
    def _():
        loss_ref[...] = (loss_ref[...] + part) / Z


def _sc_gather_body(cb_hbm, idx_hbm, out_hbm, idx_v, rows_v, sem):
    wid = lax.axis_index("s") * SC_NC + lax.axis_index("c")
    base = wid * ROWS_PER_W
    pltpu.sync_copy(idx_hbm.at[pl.ds(wid * NCH, NCH)], idx_v)
    copies = [
        pltpu.async_copy(cb_hbm.at[idx_v.at[j]],
                         rows_v.at[pl.ds(j * IDX_CH, IDX_CH)], sem)
        for j in range(NCH)
    ]
    for cp in copies:
        cp.wait()
    pltpu.sync_copy(rows_v, out_hbm.at[pl.ds(base, ROWS_PER_W)])


def kernel(z, in_v, in_g, in_b, out_v, out_g, out_b, codebook):
    ze, idx3 = pl.pallas_call(
        _stage_a_body,
        grid=(NT,),
        in_specs=[
            pl.BlockSpec((1, D, TT), lambda r: (r // NTC, 0, r % NTC)),
            pl.BlockSpec((C, D), lambda r: (0, 0)),
            pl.BlockSpec((C, 1), lambda r: (0, 0)),
            pl.BlockSpec((C, 1), lambda r: (0, 0)),
            pl.BlockSpec((K, C), lambda r: (0, 0)),
            pl.BlockSpec((C, K), lambda r: (0, 0)),
        ],
        out_specs=[
            pl.BlockSpec((1, C, TT), lambda r: (r // NTC, 0, r % NTC)),
            pl.BlockSpec((1, 1, TT), lambda r: (r, 0, 0)),
        ],
        out_shape=[
            jax.ShapeDtypeStruct((B, C, T), jnp.float32),
            jax.ShapeDtypeStruct((NT, 1, TT), jnp.int32),
        ],
    )(z, in_v, in_g[:, None], in_b[:, None], codebook, codebook.T)

    indices = idx3.reshape(B, T)
    idx2d = idx3.reshape(NW * NCH, IDX_CH)

    cb_pad = jnp.pad(codebook, ((0, 0), (0, 128 - C)))
    gather = pl.kernel(
        _sc_gather_body,
        out_type=jax.ShapeDtypeStruct((B * T, 128), jnp.float32),
        mesh=plsc.VectorSubcoreMesh(core_axis_name="c", subcore_axis_name="s"),
        scratch_types=[
            pltpu.VMEM((NCH, IDX_CH), jnp.int32),
            pltpu.VMEM((ROWS_PER_W, 128), jnp.float32),
            pltpu.SemaphoreType.DMA,
        ],
    )
    zq = gather(cb_pad, idx2d)

    out, loss_acc = pl.pallas_call(
        _stage_c_body,
        grid=(NT,),
        in_specs=[
            pl.BlockSpec((TT, 128), lambda r: (r, 0)),
            pl.BlockSpec((1, C, TT), lambda r: (r // NTC, 0, r % NTC)),
            pl.BlockSpec((D, C), lambda r: (0, 0)),
            pl.BlockSpec((D, 1), lambda r: (0, 0)),
            pl.BlockSpec((D, 1), lambda r: (0, 0)),
        ],
        out_specs=[
            pl.BlockSpec((1, D, TT), lambda r: (r // NTC, 0, r % NTC)),
            pl.BlockSpec((1, 1, 128), lambda r: (r // NTC, 0, 0)),
        ],
        out_shape=[
            jax.ShapeDtypeStruct((B, D, T), jnp.float32),
            jax.ShapeDtypeStruct((B, 1, 128), jnp.float32),
        ],
        compiler_params=pltpu.CompilerParams(
            dimension_semantics=("arbitrary",)),
    )(zq, ze, out_v, out_g[:, None], out_b[:, None])

    loss = loss_acc[:, 0, 0]
    return (out, loss, loss, indices)

# --- scband reference (transcript-rebuilt; emitter-appended) ---
"""Pipeline reference for scband-vector-quantize-4157528343151 (READ-ONLY COPY).

The authoritative reference and input builder live on the scoring server;
editing this copy changes nothing except your own understanding.
"""

import jax, jax.numpy as jnp
import numpy as np


def _wn(v, g):
    # torch weight_norm: w = g * v / ||v||, norm over all dims except dim 0
    return g[:, None] * v / jnp.maximum(jnp.sqrt(jnp.sum(v * v, axis=1, keepdims=True)), 1e-12)


def setup_inputs(seed: int = 0) -> dict:
    key = jax.random.key(seed)
    ks = jax.random.split(key, 4)
    B, D, T = 8, 1024, 1024
    K, C = 8192, 32
    z = jax.random.normal(ks[0], (B, D, T), dtype=jnp.float32)
    in_v = jax.random.normal(ks[1], (C, D), dtype=jnp.float32) * 0.02
    in_g = jnp.ones((C,), dtype=jnp.float32)
    in_b = jnp.zeros((C,), dtype=jnp.float32)
    out_v = jax.random.normal(ks[2], (D, C), dtype=jnp.float32) * 0.02
    out_g = jnp.ones((D,), dtype=jnp.float32)
    out_b = jnp.zeros((D,), dtype=jnp.float32)
    codebook = jax.random.normal(ks[3], (K, C), dtype=jnp.float32)
    return {"z": z, "in_v": in_v, "in_g": in_g, "in_b": in_b,
            "out_v": out_v, "out_g": out_g, "out_b": out_b, "codebook": codebook}


def reference(z, in_v, in_g, in_b, out_v, out_g, out_b, codebook):
    # in_proj: weight-normed 1x1 conv == per-timestep linear
    in_w = _wn(in_v, in_g)
    z_e = jnp.einsum('od,bdt->bot', in_w, z) + in_b[None, :, None]  # [B, C, T]
    B, C, T = z_e.shape
    encodings = jnp.transpose(z_e, (0, 2, 1)).reshape(B * T, C)  # (b t) d
    # F.normalize (L2, eps=1e-12)
    enc_n = encodings / jnp.maximum(jnp.linalg.norm(encodings, axis=1, keepdims=True), 1e-12)
    cb_n = codebook / jnp.maximum(jnp.linalg.norm(codebook, axis=1, keepdims=True), 1e-12)
    dist = (jnp.sum(enc_n ** 2, axis=1, keepdims=True)
            - 2.0 * enc_n @ cb_n.T
            + jnp.sum(cb_n ** 2, axis=1)[None, :])  # [(b t), K]
    indices = jnp.argmax(-dist, axis=1).reshape(B, T)  # [B, T]
    z_q = jnp.transpose(jnp.take(codebook, indices, axis=0), (0, 2, 1))  # [B, C, T]
    commitment_loss = jnp.mean((z_e - jax.lax.stop_gradient(z_q)) ** 2, axis=(1, 2))  # [B]
    codebook_loss = jnp.mean((z_q - jax.lax.stop_gradient(z_e)) ** 2, axis=(1, 2))  # [B]
    # straight-through estimator
    z_q_st = z_e + jax.lax.stop_gradient(z_q - z_e)
    out_w = _wn(out_v, out_g)
    out = jnp.einsum('od,bdt->bot', out_w, z_q_st) + out_b[None, :, None]  # [B, D, T]
    return (out, commitment_loss, codebook_loss, indices)

if __name__ == "__main__":
    import jax
    _d = setup_inputs()
    print(jax.jit(kernel)(*tuple(_d.values())))

</pallas_src>

<mosaic_0001>
#map = affine_map<(d0, d1) -> (0, 0)>
module attributes {stable_mosaic.version = 14 : i64} {
  func.func @_sc_gather_body(%arg0: i32, %arg1: i32, %arg2: memref<8192x128xf32, #tpu.memory_space<hbm>>, %arg3: memref<64x128xi32, #tpu.memory_space<hbm>>, %arg4: memref<8192x128xf32, #tpu.memory_space<hbm>>, %arg5: memref<2x128xi32, #tpu.memory_space<vmem>>, %arg6: memref<256x128xf32, #tpu.memory_space<vmem>>, %arg7: memref<!tpu.dma_semaphore, #tpu.memory_space<semaphore_mem>>) attributes {dimension_semantics = [#tpu.dimension_semantics<core_parallel>, #tpu.dimension_semantics<subcore_parallel>], iteration_bounds = array<i64: 2, 16>, scalar_prefetch = 0 : i64, scratch_operands = 3 : i64, tpu.core_type = #tpu.core_type<sc_vector_subcore>, window_params = [{transform_indices = #map}, {transform_indices = #map}, {transform_indices = #map}]} {
    %mul3A = arith.constant 2 : i32
    %mul3A_0 = arith.muli %arg1, %mul3A : i32
    %add3A = arith.addi %mul3A_0, %arg0 : i32
    %mul3A_1 = arith.constant 256 : i32
    %mul3A_2 = arith.muli %add3A, %mul3A_1 : i32
    %mul3A_3 = arith.constant 2 : i32
    %mul3A_4 = arith.muli %add3A, %mul3A_3 : i32
    "tpu.region"() ({
      %run_scoped3A = tpu.sem_alloc : memref<!tpu.dma_semaphore, #tpu.memory_space<semaphore_mem>>
      %dma_start3A_43 = arith.constant 0 : i32
      %dma_start3A_44 = tpu.memref_slice %arg3[%mul3A_4, %dma_start3A_43] : memref<64x128xi32, #tpu.memory_space<hbm>> -> memref<2x128xi32, #tpu.memory_space<hbm>>
      %dma_start3A_45 = arith.constant 0 : i32
      %dma_start3A_46 = tpu.memref_slice %arg3[%mul3A_4, %dma_start3A_45] : memref<64x128xi32, #tpu.memory_space<hbm>> -> memref<2x128xi32, #tpu.memory_space<hbm>>
      tpu.enqueue_dma source(%dma_start3A_46 : memref<2x128xi32, #tpu.memory_space<hbm>>) target(%arg5 : memref<2x128xi32, #tpu.memory_space<vmem>>) target_semaphore(%run_scoped3A : memref<!tpu.dma_semaphore, #tpu.memory_space<semaphore_mem>>)
      %dma_wait3A_47 = arith.constant 0 : i32
      %dma_wait3A_48 = tpu.memref_slice %arg3[%mul3A_4, %dma_wait3A_47] : memref<64x128xi32, #tpu.memory_space<hbm>> -> memref<2x128xi32, #tpu.memory_space<hbm>>
      %dma_wait3A_49 = arith.constant 0 : i32
      %dma_wait3A_50 = tpu.memref_slice %arg3[%mul3A_4, %dma_wait3A_49] : memref<64x128xi32, #tpu.memory_space<hbm>> -> memref<2x128xi32, #tpu.memory_space<hbm>>
      tpu.wait_dma2 semaphore(%run_scoped3A : memref<!tpu.dma_semaphore, #tpu.memory_space<semaphore_mem>>) src(%dma_wait3A_50 : memref<2x128xi32, #tpu.memory_space<hbm>>) dst(%arg5 : memref<2x128xi32, #tpu.memory_space<vmem>>)
      tpu.yield
    }) : () -> ()
    %dma_start3A = arith.constant 0 : i32
    %dma_start3A_5 = arith.constant 0 : i32
    %dma_start3A_6 = arith.constant 0 : i32
    %dma_start3A_7 = tpu.memref_slice %arg6[%dma_start3A_5, %dma_start3A_6] : memref<256x128xf32, #tpu.memory_space<vmem>> -> memref<128x128xf32, #tpu.memory_space<vmem>>
    %dma_start3A_8 = arith.constant 0 : i32
    %dma_start3A_9 = tpu.memref_slice %arg5[%dma_start3A, %dma_start3A_8] : memref<2x128xi32, #tpu.memory_space<vmem>> -> memref<1x128xi32, #tpu.memory_space<vmem>>
    %dma_start3A_10 = tpu.memref_squeeze %dma_start3A_9 : memref<1x128xi32, #tpu.memory_space<vmem>> -> memref<128xi32, #tpu.memory_space<vmem>>
    %dma_start3A_11 = arith.constant 0 : i32
    %dma_start3A_12 = arith.constant 0 : i32
    %dma_start3A_13 = tpu.memref_slice %arg2[%dma_start3A_11, %dma_start3A_12] : memref<8192x128xf32, #tpu.memory_space<hbm>> -> memref<8192x128xf32, #tpu.memory_space<hbm>>
    tpu.enqueue_indirect_dma source(%dma_start3A_13 : memref<8192x128xf32, #tpu.memory_space<hbm>>) target(%dma_start3A_7 : memref<128x128xf32, #tpu.memory_space<vmem>>) offsets(%dma_start3A_10 : memref<128xi32, #tpu.memory_space<vmem>>) semaphore(%arg7 : memref<!tpu.dma_semaphore, #tpu.memory_space<semaphore_mem>>)
    %dma_start3A_14 = arith.constant 1 : i32
    %dma_start3A_15 = arith.constant 128 : i32
    %dma_start3A_16 = arith.constant 0 : i32
    %dma_start3A_17 = tpu.memref_slice %arg6[%dma_start3A_15, %dma_start3A_16] : memref<256x128xf32, #tpu.memory_space<vmem>> -> memref<128x128xf32, #tpu.memory_space<vmem>>
    %dma_start3A_18 = arith.constant 0 : i32
    %dma_start3A_19 = tpu.memref_slice %arg5[%dma_start3A_14, %dma_start3A_18] : memref<2x128xi32, #tpu.memory_space<vmem>> -> memref<1x128xi32, #tpu.memory_space<vmem>>
    %dma_start3A_20 = tpu.memref_squeeze %dma_start3A_19 : memref<1x128xi32, #tpu.memory_space<vmem>> -> memref<128xi32, #tpu.memory_space<vmem>>
    %dma_start3A_21 = arith.constant 0 : i32
    %dma_start3A_22 = arith.constant 0 : i32
    %dma_start3A_23 = tpu.memref_slice %arg2[%dma_start3A_21, %dma_start3A_22] : memref<8192x128xf32, #tpu.memory_space<hbm>> -> memref<8192x128xf32, #tpu.memory_space<hbm>>
    tpu.enqueue_indirect_dma source(%dma_start3A_23 : memref<8192x128xf32, #tpu.memory_space<hbm>>) target(%dma_start3A_17 : memref<128x128xf32, #tpu.memory_space<vmem>>) offsets(%dma_start3A_20 : memref<128xi32, #tpu.memory_space<vmem>>) semaphore(%arg7 : memref<!tpu.dma_semaphore, #tpu.memory_space<semaphore_mem>>)
    %dma_wait3A = arith.constant 0 : i32
    %dma_wait3A_24 = arith.constant 0 : i32
    %dma_wait3A_25 = arith.constant 0 : i32
    %dma_wait3A_26 = tpu.memref_slice %arg6[%dma_wait3A_24, %dma_wait3A_25] : memref<256x128xf32, #tpu.memory_space<vmem>> -> memref<128x128xf32, #tpu.memory_space<vmem>>
    %dma_wait3A_27 = arith.constant 0 : i32
    %dma_wait3A_28 = tpu.memref_slice %arg5[%dma_wait3A, %dma_wait3A_27] : memref<2x128xi32, #tpu.memory_space<vmem>> -> memref<1x128xi32, #tpu.memory_space<vmem>>
    %dma_wait3A_29 = tpu.memref_squeeze %dma_wait3A_28 : memref<1x128xi32, #tpu.memory_space<vmem>> -> memref<128xi32, #tpu.memory_space<vmem>>
    %dma_wait3A_30 = arith.constant 0 : i32
    %dma_wait3A_31 = arith.constant 0 : i32
    %dma_wait3A_32 = tpu.memref_slice %arg2[%dma_wait3A_30, %dma_wait3A_31] : memref<8192x128xf32, #tpu.memory_space<hbm>> -> memref<8192x128xf32, #tpu.memory_space<hbm>>
    tpu.wait_indirect_dma semaphore(%arg7 : memref<!tpu.dma_semaphore, #tpu.memory_space<semaphore_mem>>) src(%dma_wait3A_32 : memref<8192x128xf32, #tpu.memory_space<hbm>>) dst(%dma_wait3A_26 : memref<128x128xf32, #tpu.memory_space<vmem>>)
    %dma_wait3A_33 = arith.constant 1 : i32
    %dma_wait3A_34 = arith.constant 128 : i32
    %dma_wait3A_35 = arith.constant 0 : i32
    %dma_wait3A_36 = tpu.memref_slice %arg6[%dma_wait3A_34, %dma_wait3A_35] : memref<256x128xf32, #tpu.memory_space<vmem>> -> memref<128x128xf32, #tpu.memory_space<vmem>>
    %dma_wait3A_37 = arith.constant 0 : i32
    %dma_wait3A_38 = tpu.memref_slice %arg5[%dma_wait3A_33, %dma_wait3A_37] : memref<2x128xi32, #tpu.memory_space<vmem>> -> memref<1x128xi32, #tpu.memory_space<vmem>>
    %dma_wait3A_39 = tpu.memref_squeeze %dma_wait3A_38 : memref<1x128xi32, #tpu.memory_space<vmem>> -> memref<128xi32, #tpu.memory_space<vmem>>
    %dma_wait3A_40 = arith.constant 0 : i32
    %dma_wait3A_41 = arith.constant 0 : i32
    %dma_wait3A_42 = tpu.memref_slice %arg2[%dma_wait3A_40, %dma_wait3A_41] : memref<8192x128xf32, #tpu.memory_space<hbm>> -> memref<8192x128xf32, #tpu.memory_space<hbm>>
    tpu.wait_indirect_dma semaphore(%arg7 : memref<!tpu.dma_semaphore, #tpu.memory_space<semaphore_mem>>) src(%dma_wait3A_42 : memref<8192x128xf32, #tpu.memory_space<hbm>>) dst(%dma_wait3A_36 : memref<128x128xf32, #tpu.memory_space<vmem>>)
    "tpu.region"() ({
      %run_scoped3A = tpu.sem_alloc : memref<!tpu.dma_semaphore, #tpu.memory_space<semaphore_mem>>
      %dma_start3A_43 = arith.constant 0 : i32
      %dma_start3A_44 = tpu.memref_slice %arg4[%mul3A_2, %dma_start3A_43] : memref<8192x128xf32, #tpu.memory_space<hbm>> -> memref<256x128xf32, #tpu.memory_space<hbm>>
      %dma_start3A_45 = arith.constant 0 : i32
      %dma_start3A_46 = tpu.memref_slice %arg4[%mul3A_2, %dma_start3A_45] : memref<8192x128xf32, #tpu.memory_space<hbm>> -> memref<256x128xf32, #tpu.memory_space<hbm>>
      tpu.enqueue_dma source(%arg6 : memref<256x128xf32, #tpu.memory_space<vmem>>) target(%dma_start3A_46 : memref<256x128xf32, #tpu.memory_space<hbm>>) target_semaphore(%run_scoped3A : memref<!tpu.dma_semaphore, #tpu.memory_space<semaphore_mem>>)
      %dma_wait3A_47 = arith.constant 0 : i32
      %dma_wait3A_48 = tpu.memref_slice %arg4[%mul3A_2, %dma_wait3A_47] : memref<8192x128xf32, #tpu.memory_space<hbm>> -> memref<256x128xf32, #tpu.memory_space<hbm>>
      %dma_wait3A_49 = arith.constant 0 : i32
      %dma_wait3A_50 = tpu.memref_slice %arg4[%mul3A_2, %dma_wait3A_49] : memref<8192x128xf32, #tpu.memory_space<hbm>> -> memref<256x128xf32, #tpu.memory_space<hbm>>
      tpu.wait_dma2 semaphore(%run_scoped3A : memref<!tpu.dma_semaphore, #tpu.memory_space<semaphore_mem>>) src(%arg6 : memref<256x128xf32, #tpu.memory_space<vmem>>) dst(%dma_wait3A_50 : memref<256x128xf32, #tpu.memory_space<hbm>>)
      tpu.yield
    }) : () -> ()
    return
  }
}

module attributes {stable_mosaic.version = 14 : i64} {
  func.func @_stage_a_body(%arg0: i32, %arg1: memref<1x1024x512xf32, #tpu.memory_space<vmem>>, %arg2: memref<32x1024xf32, #tpu.memory_space<vmem>>, %arg3: memref<32x1xf32, #tpu.memory_space<vmem>>, %arg4: memref<32x1xf32, #tpu.memory_space<vmem>>, %arg5: memref<8192x32xf32, #tpu.memory_space<vmem>>, %arg6: memref<32x8192xf32, #tpu.memory_space<vmem>>, %arg7: memref<1x32x512xf32, #tpu.memory_space<vmem>>, %arg8: memref<1x1x512xi32, #tpu.memory_space<vmem>>) attributes {dimension_semantics = [#tpu.dimension_semantics<arbitrary>], iteration_bounds = array<i64: 16>, scalar_prefetch = 0 : i64, scratch_operands = 0 : i64, tpu.core_type = #tpu.core_type<tc>, window_params = [{transform_indices = @transform_0, window_bounds = array<i64: 1, 1024, 512>}, {pipeline_mode = #tpu.pipeline_mode<synchronous>, transform_indices = @transform_1, window_bounds = array<i64: 32, 1024>}, {pipeline_mode = #tpu.pipeline_mode<synchronous>, transform_indices = @transform_2, window_bounds = array<i64: 32, 1>}, {pipeline_mode = #tpu.pipeline_mode<synchronous>, transform_indices = @transform_3, window_bounds = array<i64: 32, 1>}, {pipeline_mode = #tpu.pipeline_mode<synchronous>, transform_indices = @transform_4, window_bounds = array<i64: 8192, 32>}, {pipeline_mode = #tpu.pipeline_mode<synchronous>, transform_indices = @transform_5, window_bounds = array<i64: 32, 8192>}, {transform_indices = @transform_6, window_bounds = array<i64: 1, 32, 512>}, {transform_indices = @transform_7, window_bounds = array<i64: 1, 1, 512>}]} {
    %get3A = arith.constant 0 : index
    %get3A_0 = arith.constant 0 : index
    %get3A_1 = vector.load %arg2[%get3A, %get3A_0] : memref<32x1024xf32, #tpu.memory_space<vmem>>, vector<32x1024xf32>
    %mul3A = arith.mulf %get3A_1, %get3A_1 : vector<32x1024xf32>
    %reduce_sum3A = arith.constant dense<0.000000e+00> : vector<32xf32>
    %reduce_sum3A_2 = vector.multi_reduction <add>, %mul3A, %reduce_sum3A [1] : vector<32x1024xf32> to vector<32xf32>
    %broadcast_in_dim3A = vector.shape_cast %reduce_sum3A_2 : vector<32xf32> to vector<32x1xf32>
    %get3A_3 = arith.constant 0 : index
    %get3A_4 = arith.constant 0 : index
    %get3A_5 = vector.load %arg3[%get3A_3, %get3A_4] : memref<32x1xf32, #tpu.memory_space<vmem>>, vector<32x1xf32>
    %mul3A_6 = vector.broadcast %get3A_5 : vector<32x1xf32> to vector<32x1024xf32>
    %mul3A_7 = arith.mulf %mul3A_6, %get3A_1 : vector<32x1024xf32>
    %sqrt3A = math.sqrt %broadcast_in_dim3A : vector<32x1xf32>
    %max3A = arith.constant 9.99999996E-13 : f32
    %max3A_8 = vector.broadcast %max3A : f32 to vector<32x1xf32>
    %max3A_9 = arith.maximumf %sqrt3A, %max3A_8 : vector<32x1xf32>
    %div3A = vector.broadcast %max3A_9 : vector<32x1xf32> to vector<32x1024xf32>
    %div3A_10 = arith.divf %mul3A_7, %div3A : vector<32x1024xf32>
    %get3A_11 = arith.constant 0 : index
    %get3A_12 = arith.constant 0 : index
    %get3A_13 = arith.constant 0 : index
    %get3A_14 = vector.load %arg1[%get3A_11, %get3A_12, %get3A_13] : memref<1x1024x512xf32, #tpu.memory_space<vmem>>, vector<1x1024x512xf32>
    %get3A_15 = vector.shape_cast %get3A_14 : vector<1x1024x512xf32> to vector<1024x512xf32>
    %convert_element_type3A = arith.truncf %div3A_10 : vector<32x1024xf32> to vector<32x1024xbf16>
    %convert_element_type3A_16 = arith.truncf %get3A_15 : vector<1024x512xf32> to vector<1024x512xbf16>
    %dot_general3A = arith.constant dense<0.000000e+00> : vector<32x512xf32>
    %dot_general3A_17 = tpu.matmul %convert_element_type3A, %convert_element_type3A_16, %dot_general3A {dimension_numbers = #tpu.dot_dimension_numbers<[1], [0], [0], [1], [0, 0, 1, 1], [], []>, transpose_lhs_hint = false} : vector<32x1024xbf16>, vector<1024x512xbf16>, vector<32x512xf32> -> vector<32x512xf32>
    %get3A_18 = arith.constant 0 : index
    %get3A_19 = arith.constant 0 : index
    %get3A_20 = vector.load %arg4[%get3A_18, %get3A_19] : memref<32x1xf32, #tpu.memory_space<vmem>>, vector<32x1xf32>
    %add3A = vector.broadcast %get3A_20 : vector<32x1xf32> to vector<32x512xf32>
    %add3A_21 = arith.addf %dot_general3A_17, %add3A : vector<32x512xf32>
    %swap3A = arith.constant 0 : index
    %swap3A_22 = arith.constant 0 : index
    %swap3A_23 = arith.constant 0 : index
    %swap3A_24 = vector.load %arg7[%swap3A, %swap3A_22, %swap3A_23] : memref<1x32x512xf32, #tpu.memory_space<vmem>>, vector<1x32x512xf32>
    %swap3A_25 = vector.shape_cast %swap3A_24 : vector<1x32x512xf32> to vector<32x512xf32>
    %swap3A_26 = vector.shape_cast %add3A_21 : vector<32x512xf32> to vector<1x32x512xf32>
    tpu.vector_store %arg7[%swap3A, %swap3A_22, %swap3A_23], %swap3A_26 {strides = array<i32>} : memref<1x32x512xf32, #tpu.memory_space<vmem>>, vector<1x32x512xf32>,
    %mul3A_27 = arith.mulf %add3A_21, %add3A_21 : vector<32x512xf32>
    %slice3A = vector.extract_strided_slice %mul3A_27 {offsets = [0, 0], sizes = [8, 512], strides = [1, 1]} : vector<32x512xf32> to vector<8x512xf32>
    %slice3A_28 = vector.extract_strided_slice %mul3A_27 {offsets = [8, 0], sizes = [8, 512], strides = [1, 1]} : vector<32x512xf32> to vector<8x512xf32>
    %add3A_29 = arith.addf %slice3A, %slice3A_28 : vector<8x512xf32>
    %slice3A_30 = vector.extract_strided_slice %mul3A_27 {offsets = [16, 0], sizes = [8, 512], strides = [1, 1]} : vector<32x512xf32> to vector<8x512xf32>
    %add3A_31 = arith.addf %add3A_29, %slice3A_30 : vector<8x512xf32>
    %slice3A_32 = vector.extract_strided_slice %mul3A_27 {offsets = [24, 0], sizes = [8, 512], strides = [1, 1]} : vector<32x512xf32> to vector<8x512xf32>
    %add3A_33 = arith.addf %add3A_31, %slice3A_32 : vector<8x512xf32>
    %slice3A_34 = vector.extract_strided_slice %add3A_33 {offsets = [0, 0], sizes = [4, 512], strides = [1, 1]} : vector<8x512xf32> to vector<4x512xf32>
    %slice3A_35 = vector.extract_strided_slice %add3A_33 {offsets = [4, 0], sizes = [4, 512], strides = [1, 1]} : vector<8x512xf32> to vector<4x512xf32>
    %add3A_36 = arith.addf %slice3A_34, %slice3A_35 : vector<4x512xf32>
    %slice3A_37 = vector.extract_strided_slice %add3A_36 {offsets = [0, 0], sizes = [2, 512], strides = [1, 1]} : vector<4x512xf32> to vector<2x512xf32>
    %slice3A_38 = vector.extract_strided_slice %add3A_36 {offsets = [2, 0], sizes = [2, 512], strides = [1, 1]} : vector<4x512xf32> to vector<2x512xf32>
    %add3A_39 = arith.addf %slice3A_37, %slice3A_38 : vector<2x512xf32>
    %slice3A_40 = vector.extract_strided_slice %add3A_39 {offsets = [0, 0], sizes = [1, 512], strides = [1, 1]} : vector<2x512xf32> to vector<1x512xf32>
    %slice3A_41 = vector.extract_strided_slice %add3A_39 {offsets = [1, 0], sizes = [1, 512], strides = [1, 1]} : vector<2x512xf32> to vector<1x512xf32>
    %add3A_42 = arith.addf %slice3A_40, %slice3A_41 : vector<1x512xf32>
    %sqrt3A_43 = math.sqrt %add3A_42 : vector<1x512xf32>
    %max3A_44 = arith.constant 9.99999996E-13 : f32
    %max3A_45 = vector.broadcast %max3A_44 : f32 to vector<1x512xf32>
    %max3A_46 = arith.maximumf %sqrt3A_43, %max3A_45 : vector<1x512xf32>
    %div3A_47 = arith.constant 1.000000e+00 : f32
    %div3A_48 = vector.broadcast %div3A_47 : f32 to vector<1x512xf32>
    %div3A_49 = arith.divf %div3A_48, %max3A_46 : vector<1x512xf32>
    %mul3A_50 = vector.broadcast %div3A_49 : vector<1x512xf32> to vector<32x512xf32>
    %mul3A_51 = arith.mulf %add3A_21, %mul3A_50 : vector<32x512xf32>
    %div3A_52 = vector.broadcast %max3A_46 : vector<1x512xf32> to vector<32x512xf32>
    %div3A_53 = arith.divf %add3A_21, %div3A_52 : vector<32x512xf32>
    %mul3A_54 = arith.mulf %div3A_53, %div3A_53 : vector<32x512xf32>
    %reduce_sum3A_55 = arith.constant dense<0.000000e+00> : vector<512xf32>
    %reduce_sum3A_56 = vector.multi_reduction <add>, %mul3A_54, %reduce_sum3A_55 [0] : vector<32x512xf32> to vector<512xf32>
    %broadcast_in_dim3A_57 = vector.shape_cast %reduce_sum3A_56 : vector<512xf32> to vector<1x512xf32>
    %broadcast_in_dim3A_58 = arith.constant 0x7F800000 : f32
    %broadcast_in_dim3A_59 = vector.broadcast %broadcast_in_dim3A_58 : f32 to vector<1x512xf32>
    %broadcast_in_dim3A_60 = arith.constant 0 : i32
    %broadcast_in_dim3A_61 = vector.broadcast %broadcast_in_dim3A_60 : i32 to vector<1x512xi32>
    %scan3A = arith.constant 0 : i32
    %scan3A_62 = arith.constant 4 : i32
    %scan3A_63 = arith.addi %scan3A, %scan3A_62 : i32
    %scan3A_64 = arith.constant 1 : i32
    %scan3A_65:2 = scf.for %scan3A_73 = %scan3A to %scan3A_63 step %scan3A_64 iter_args(%scan3A_74 = %broadcast_in_dim3A_59, %scan3A_75 = %broadcast_in_dim3A_61) -> (vector<1x512xf32>, vector<1x512xi32>)  : i32 {
      %mul3A_76 = arith.constant 2048 : i32
      %mul3A_77 = arith.muli %scan3A_73, %mul3A_76 : i32
      %get3A_78 = arith.constant 0 : index
      %get3A_79 = arith.index_cast %mul3A_77 : i32 to index
      %get3A_80 = vector.load %arg6[%get3A_78, %get3A_79] : memref<32x8192xf32, #tpu.memory_space<vmem>>, vector<32x2048xf32>
      %mul3A_81 = arith.mulf %get3A_80, %get3A_80 : vector<32x2048xf32>
      %reduce_sum3A_82 = arith.constant dense<0.000000e+00> : vector<2048xf32>
      %reduce_sum3A_83 = vector.multi_reduction <add>, %mul3A_81, %reduce_sum3A_82 [0] : vector<32x2048xf32> to vector<2048xf32>
      %broadcast_in_dim3A_84 = vector.shape_cast %reduce_sum3A_83 : vector<2048xf32> to vector<1x2048xf32>
      %sqrt3A_85 = math.sqrt %broadcast_in_dim3A_84 : vector<1x2048xf32>
      %max3A_86 = arith.constant 9.99999996E-13 : f32
      %max3A_87 = vector.broadcast %max3A_86 : f32 to vector<1x2048xf32>
      %max3A_88 = arith.maximumf %sqrt3A_85, %max3A_87 : vector<1x2048xf32>
      %div3A_89 = arith.constant 1.000000e+00 : f32
      %div3A_90 = vector.broadcast %div3A_89 : f32 to vector<1x2048xf32>
      %div3A_91 = arith.divf %div3A_90, %max3A_88 : vector<1x2048xf32>
      %mul3A_92 = vector.broadcast %div3A_91 : vector<1x2048xf32> to vector<32x2048xf32>
      %mul3A_93 = arith.mulf %get3A_80, %mul3A_92 : vector<32x2048xf32>
      %mul3A_94 = arith.constant 2048 : i32
      %mul3A_95 = arith.muli %scan3A_73, %mul3A_94 : i32
      %get3A_96 = arith.index_cast %mul3A_95 : i32 to index
      %get3A_97 = arith.constant 0 : index
      %get3A_98 = vector.load %arg5[%get3A_96, %get3A_97] : memref<8192x32xf32, #tpu.memory_space<vmem>>, vector<2048x32xf32>
      %mul3A_99 = arith.mulf %get3A_98, %get3A_98 : vector<2048x32xf32>
      %reduce_sum3A_100 = arith.constant dense<0.000000e+00> : vector<2048xf32>
      %reduce_sum3A_101 = vector.multi_reduction <add>, %mul3A_99, %reduce_sum3A_100 [1] : vector<2048x32xf32> to vector<2048xf32>
      %broadcast_in_dim3A_102 = vector.shape_cast %reduce_sum3A_101 : vector<2048xf32> to vector<2048x1xf32>
      %sqrt3A_103 = math.sqrt %broadcast_in_dim3A_102 : vector<2048x1xf32>
      %max3A_104 = arith.constant 9.99999996E-13 : f32
      %max3A_105 = vector.broadcast %max3A_104 : f32 to vector<2048x1xf32>
      %max3A_106 = arith.maximumf %sqrt3A_103, %max3A_105 : vector<2048x1xf32>
      %div3A_107 = vector.broadcast %max3A_106 : vector<2048x1xf32> to vector<2048x32xf32>
      %div3A_108 = arith.divf %get3A_98, %div3A_107 : vector<2048x32xf32>
      %mul3A_109 = arith.mulf %div3A_108, %div3A_108 : vector<2048x32xf32>
      %reduce_sum3A_110 = arith.constant dense<0.000000e+00> : vector<2048xf32>
      %reduce_sum3A_111 = vector.multi_reduction <add>, %mul3A_109, %reduce_sum3A_110 [1] : vector<2048x32xf32> to vector<2048xf32>
      %broadcast_in_dim3A_112 = vector.shape_cast %reduce_sum3A_111 : vector<2048xf32> to vector<2048x1xf32>
      %dot_general3A_113 = arith.constant dense<0.000000e+00> : vector<2048x512xf32>
      %dot_general3A_114 = tpu.matmul %mul3A_93, %mul3A_51, %dot_general3A_113 {dimension_numbers = #tpu.dot_dimension_numbers<[0], [0], [1], [1], [0, 1, 1, 1], [], []>, transpose_lhs_hint = false} : vector<32x2048xf32>, vector<32x512xf32>, vector<2048x512xf32> -> vector<2048x512xf32>
      %mul3A_115 = arith.constant 2.000000e+00 : f32
      %mul3A_116 = vector.broadcast %mul3A_115 : f32 to vector<2048x512xf32>
      %mul3A_117 = arith.mulf %mul3A_116, %dot_general3A_114 : vector<2048x512xf32>
      %sub3A = vector.broadcast %broadcast_in_dim3A_57 : vector<1x512xf32> to vector<2048x512xf32>
      %sub3A_118 = arith.subf %sub3A, %mul3A_117 : vector<2048x512xf32>
      %add3A_119 = vector.broadcast %broadcast_in_dim3A_112 : vector<2048x1xf32> to vector<2048x512xf32>
      %add3A_120 = arith.addf %sub3A_118, %add3A_119 : vector<2048x512xf32>
      %reduce_min3A = arith.constant dense<0x7F800000> : vector<512xf32>
      %reduce_min3A_121 = vector.multi_reduction <minimumf>, %add3A_120, %reduce_min3A [0] : vector<2048x512xf32> to vector<512xf32>
      %broadcast_in_dim3A_122 = vector.shape_cast %reduce_min3A_121 : vector<512xf32> to vector<1x512xf32>
      %iota3A = tpu.iota {dimensions = array<i32: 0>} : vector<2048x512xi32>
      %mul3A_123 = arith.constant 2048 : i32
      %mul3A_124 = arith.muli %scan3A_73, %mul3A_123 : i32
      %add3A_125 = vector.broadcast %mul3A_124 : i32 to vector<2048x512xi32>
      %add3A_126 = arith.addi %iota3A, %add3A_125 : vector<2048x512xi32>
      %eq3A = vector.broadcast %broadcast_in_dim3A_122 : vector<1x512xf32> to vector<2048x512xf32>
      %eq3A_127 = arith.cmpf oeq, %add3A_120, %eq3A : vector<2048x512xf32>
      %jit3A = arith.constant 8192 : i32
      %broadcast_in_dim3A_128 = vector.broadcast %jit3A : i32 to vector<2048x512xi32>
      %select_n3A = arith.select %eq3A_127, %add3A_126, %broadcast_in_dim3A_128 : vector<2048x512xi1>, vector<2048x512xi32>
      %reduce_min3A_129 = arith.constant dense<2147483647> : vector<512xi32>
      %reduce_min3A_130 = vector.multi_reduction <minsi>, %select_n3A, %reduce_min3A_129 [0] : vector<2048x512xi32> to vector<512xi32>
      %broadcast_in_dim3A_131 = vector.shape_cast %reduce_min3A_130 : vector<512xi32> to vector<1x512xi32>
      %lt3A = arith.cmpf olt, %broadcast_in_dim3A_122, %scan3A_74 : vector<1x512xf32>
      %select_n3A_132 = arith.select %lt3A, %broadcast_in_dim3A_122, %scan3A_74 : vector<1x512xi1>, vector<1x512xf32>
      %select_n3A_133 = arith.select %lt3A, %broadcast_in_dim3A_131, %scan3A_75 : vector<1x512xi1>, vector<1x512xi32>
      scf.yield %select_n3A_132, %select_n3A_133 : vector<1x512xf32>, vector<1x512xi32>
    }
    %scan3A_66 = arith.constant 4 : i32
    %swap3A_67 = arith.constant 0 : index
    %swap3A_68 = arith.constant 0 : index
    %swap3A_69 = arith.constant 0 : index
    %swap3A_70 = vector.load %arg8[%swap3A_67, %swap3A_68, %swap3A_69] : memref<1x1x512xi32, #tpu.memory_space<vmem>>, vector<1x1x512xi32>
    %swap3A_71 = vector.shape_cast %swap3A_70 : vector<1x1x512xi32> to vector<1x512xi32>
    %swap3A_72 = vector.shape_cast %scan3A_65#1 : vector<1x512xi32> to vector<1x1x512xi32>
    tpu.vector_store %arg8[%swap3A_67, %swap3A_68, %swap3A_69], %swap3A_72 {strides = array<i32>} : memref<1x1x512xi32, #tpu.memory_space<vmem>>, vector<1x1x512xi32>,
    return
  }
  func.func @transform_0(%arg0: i32) -> (i32, i32, i32) {
    %jit3A = arith.constant 2 : i32
    %div3A = arith.divsi %arg0, %jit3A : i32
    %sign3A = arith.constant 0 : i32
    %sign3A_0 = arith.cmpi sgt, %arg0, %sign3A : i32
    %sign3A_1 = arith.extui %sign3A_0 : i1 to i32
    %sign3A_2 = arith.constant 0 : i32
    %sign3A_3 = arith.cmpi slt, %arg0, %sign3A_2 : i32
    %sign3A_4 = arith.extui %sign3A_3 : i1 to i32
    %sign3A_5 = arith.subi %sign3A_1, %sign3A_4 : i32
    %sign3A_6 = arith.constant 0 : i32
    %sign3A_7 = arith.cmpi sgt, %jit3A, %sign3A_6 : i32
    %sign3A_8 = arith.extui %sign3A_7 : i1 to i32
    %sign3A_9 = arith.constant 0 : i32
    %sign3A_10 = arith.cmpi slt, %jit3A, %sign3A_9 : i32
    %sign3A_11 = arith.extui %sign3A_10 : i1 to i32
    %sign3A_12 = arith.subi %sign3A_8, %sign3A_11 : i32
    %ne3A = arith.cmpi ne, %sign3A_5, %sign3A_12 : i32
    %rem3A = arith.remsi %arg0, %jit3A : i32
    %ne3A_13 = arith.constant 0 : i32
    %ne3A_14 = arith.cmpi ne, %rem3A, %ne3A_13 : i32
    %and3A = arith.andi %ne3A, %ne3A_14 : i1
    %sub3A = arith.constant 1 : i32
    %sub3A_15 = arith.subi %div3A, %sub3A : i32
    %select_n3A = arith.select %and3A, %sub3A_15, %div3A : i32
    %jit3A_16 = arith.constant 2 : i32
    %eq3A = arith.constant 0 : i32
    %eq3A_17 = arith.cmpi eq, %jit3A_16, %eq3A : i32
    %jit3A_18 = arith.constant 1 : i32
    %select_n3A_19 = arith.select %eq3A_17, %jit3A_18, %jit3A_16 : i32
    %rem3A_20 = arith.remsi %arg0, %select_n3A_19 : i32
    %ne3A_21 = arith.constant 0 : i32
    %ne3A_22 = arith.cmpi ne, %rem3A_20, %ne3A_21 : i32
    %lt3A = arith.constant 0 : i32
    %lt3A_23 = arith.cmpi slt, %rem3A_20, %lt3A : i32
    %lt3A_24 = arith.constant 0 : i32
    %lt3A_25 = arith.cmpi slt, %select_n3A_19, %lt3A_24 : i32
    %ne3A_26 = arith.xori %lt3A_23, %lt3A_25 : i1
    %and3A_27 = arith.andi %ne3A_26, %ne3A_22 : i1
    %add3A = arith.addi %rem3A_20, %select_n3A_19 : i32
    %select_n3A_28 = arith.select %and3A_27, %add3A, %rem3A_20 : i32
    %c0_i32 = arith.constant 0 : i32
    %c0_i32_29 = arith.constant 0 : i32
    return %select_n3A, %c0_i32, %select_n3A_28 : i32, i32, i32
  }
  func.func @transform_1(%arg0: i32) -> (i32, i32) {
    %c0_i32 = arith.constant 0 : i32
    %c0_i32_0 = arith.constant 0 : i32
    %c0_i32_1 = arith.constant 0 : i32
    return %c0_i32, %c0_i32_0 : i32, i32
  }
  func.func @transform_2(%arg0: i32) -> (i32, i32) {
    %c0_i32 = arith.constant 0 : i32
    %c0_i32_0 = arith.constant 0 : i32
    %c0_i32_1 = arith.constant 0 : i32
    return %c0_i32, %c0_i32_0 : i32, i32
  }
  func.func @transform_3(%arg0: i32) -> (i32, i32) {
    %c0_i32 = arith.constant 0 : i32
    %c0_i32_0 = arith.constant 0 : i32
    %c0_i32_1 = arith.constant 0 : i32
    return %c0_i32, %c0_i32_0 : i32, i32
  }
  func.func @transform_4(%arg0: i32) -> (i32, i32) {
    %c0_i32 = arith.constant 0 : i32
    %c0_i32_0 = arith.constant 0 : i32
    %c0_i32_1 = arith.constant 0 : i32
    return %c0_i32, %c0_i32_0 : i32, i32
  }
  func.func @transform_5(%arg0: i32) -> (i32, i32) {
    %c0_i32 = arith.constant 0 : i32
    %c0_i32_0 = arith.constant 0 : i32
    %c0_i32_1 = arith.constant 0 : i32
    return %c0_i32, %c0_i32_0 : i32, i32
  }
  func.func @transform_6(%arg0: i32) -> (i32, i32, i32) {
    %jit3A = arith.constant 2 : i32
    %div3A = arith.divsi %arg0, %jit3A : i32
    %sign3A = arith.constant 0 : i32
    %sign3A_0 = arith.cmpi sgt, %arg0, %sign3A : i32
    %sign3A_1 = arith.extui %sign3A_0 : i1 to i32
    %sign3A_2 = arith.constant 0 : i32
    %sign3A_3 = arith.cmpi slt, %arg0, %sign3A_2 : i32
    %sign3A_4 = arith.extui %sign3A_3 : i1 to i32
    %sign3A_5 = arith.subi %sign3A_1, %sign3A_4 : i32
    %sign3A_6 = arith.constant 0 : i32
    %sign3A_7 = arith.cmpi sgt, %jit3A, %sign3A_6 : i32
    %sign3A_8 = arith.extui %sign3A_7 : i1 to i32
    %sign3A_9 = arith.constant 0 : i32
    %sign3A_10 = arith.cmpi slt, %jit3A, %sign3A_9 : i32
    %sign3A_11 = arith.extui %sign3A_10 : i1 to i32
    %sign3A_12 = arith.subi %sign3A_8, %sign3A_11 : i32
    %ne3A = arith.cmpi ne, %sign3A_5, %sign3A_12 : i32
    %rem3A = arith.remsi %arg0, %jit3A : i32
    %ne3A_13 = arith.constant 0 : i32
    %ne3A_14 = arith.cmpi ne, %rem3A, %ne3A_13 : i32
    %and3A = arith.andi %ne3A, %ne3A_14 : i1
    %sub3A = arith.constant 1 : i32
    %sub3A_15 = arith.subi %div3A, %sub3A : i32
    %select_n3A = arith.select %and3A, %sub3A_15, %div3A : i32
    %jit3A_16 = arith.constant 2 : i32
    %eq3A = arith.constant 0 : i32
    %eq3A_17 = arith.cmpi eq, %jit3A_16, %eq3A : i32
    %jit3A_18 = arith.constant 1 : i32
    %select_n3A_19 = arith.select %eq3A_17, %jit3A_18, %jit3A_16 : i32
    %rem3A_20 = arith.remsi %arg0, %select_n3A_19 : i32
    %ne3A_21 = arith.constant 0 : i32
    %ne3A_22 = arith.cmpi ne, %rem3A_20, %ne3A_21 : i32
    %lt3A = arith.constant 0 : i32
    %lt3A_23 = arith.cmpi slt, %rem3A_20, %lt3A : i32
    %lt3A_24 = arith.constant 0 : i32
    %lt3A_25 = arith.cmpi slt, %select_n3A_19, %lt3A_24 : i32
    %ne3A_26 = arith.xori %lt3A_23, %lt3A_25 : i1
    %and3A_27 = arith.andi %ne3A_26, %ne3A_22 : i1
    %add3A = arith.addi %rem3A_20, %select_n3A_19 : i32
    %select_n3A_28 = arith.select %and3A_27, %add3A, %rem3A_20 : i32
    %c0_i32 = arith.constant 0 : i32
    %c0_i32_29 = arith.constant 0 : i32
    return %select_n3A, %c0_i32, %select_n3A_28 : i32, i32, i32
  }
  func.func @transform_7(%arg0: i32) -> (i32, i32, i32) {
    %c0_i32 = arith.constant 0 : i32
    %c0_i32_0 = arith.constant 0 : i32
    %c0_i32_1 = arith.constant 0 : i32
    return %arg0, %c0_i32, %c0_i32_0 : i32, i32, i32
  }
}

module attributes {stable_mosaic.version = 14 : i64} {
  func.func @_stage_c_body(%arg0: i32, %arg1: memref<512x128xf32, #tpu.memory_space<vmem>>, %arg2: memref<1x32x512xf32, #tpu.memory_space<vmem>>, %arg3: memref<1024x32xf32, #tpu.memory_space<vmem>>, %arg4: memref<1024x1xf32, #tpu.memory_space<vmem>>, %arg5: memref<1024x1xf32, #tpu.memory_space<vmem>>, %arg6: memref<1x1024x512xf32, #tpu.memory_space<vmem>>, %arg7: memref<1x1x128xf32, #tpu.memory_space<vmem>>) attributes {dimension_semantics = [#tpu.dimension_semantics<arbitrary>], iteration_bounds = array<i64: 16>, scalar_prefetch = 0 : i64, scratch_operands = 0 : i64, tpu.core_type = #tpu.core_type<tc>, window_params = [{transform_indices = @transform_0, window_bounds = array<i64: 512, 128>}, {transform_indices = @transform_1, window_bounds = array<i64: 1, 32, 512>}, {pipeline_mode = #tpu.pipeline_mode<synchronous>, transform_indices = @transform_2, window_bounds = array<i64: 1024, 32>}, {pipeline_mode = #tpu.pipeline_mode<synchronous>, transform_indices = @transform_3, window_bounds = array<i64: 1024, 1>}, {pipeline_mode = #tpu.pipeline_mode<synchronous>, transform_indices = @transform_4, window_bounds = array<i64: 1024, 1>}, {transform_indices = @transform_5, window_bounds = array<i64: 1, 1024, 512>}, {transform_indices = @transform_6, window_bounds = array<i64: 1, 1, 128>}]} {
    %get3A = arith.constant 0 : index
    %get3A_0 = arith.constant 0 : index
    %get3A_1 = vector.load %arg3[%get3A, %get3A_0] : memref<1024x32xf32, #tpu.memory_space<vmem>>, vector<1024x32xf32>
    %mul3A = arith.mulf %get3A_1, %get3A_1 : vector<1024x32xf32>
    %reduce_sum3A = arith.constant dense<0.000000e+00> : vector<1024xf32>
    %reduce_sum3A_2 = vector.multi_reduction <add>, %mul3A, %reduce_sum3A [1] : vector<1024x32xf32> to vector<1024xf32>
    %broadcast_in_dim3A = vector.shape_cast %reduce_sum3A_2 : vector<1024xf32> to vector<1024x1xf32>
    %get3A_3 = arith.constant 0 : index
    %get3A_4 = arith.constant 0 : index
    %get3A_5 = vector.load %arg4[%get3A_3, %get3A_4] : memref<1024x1xf32, #tpu.memory_space<vmem>>, vector<1024x1xf32>
    %mul3A_6 = vector.broadcast %get3A_5 : vector<1024x1xf32> to vector<1024x32xf32>
    %mul3A_7 = arith.mulf %mul3A_6, %get3A_1 : vector<1024x32xf32>
    %sqrt3A = math.sqrt %broadcast_in_dim3A : vector<1024x1xf32>
    %max3A = arith.constant 9.99999996E-13 : f32
    %max3A_8 = vector.broadcast %max3A : f32 to vector<1024x1xf32>
    %max3A_9 = arith.maximumf %sqrt3A, %max3A_8 : vector<1024x1xf32>
    %div3A = vector.broadcast %max3A_9 : vector<1024x1xf32> to vector<1024x32xf32>
    %div3A_10 = arith.divf %mul3A_7, %div3A : vector<1024x32xf32>
    %get3A_11 = arith.constant 0 : index
    %get3A_12 = arith.constant 0 : index
    %get3A_13 = vector.load %arg1[%get3A_11, %get3A_12] : memref<512x128xf32, #tpu.memory_space<vmem>>, vector<512x32xf32>
    %transpose3A = tpu.transpose %get3A_13, [1, 0] : vector<512x32xf32> -> vector<32x512xf32>
    %get3A_14 = arith.constant 0 : index
    %get3A_15 = arith.constant 0 : index
    %get3A_16 = arith.constant 0 : index
    %get3A_17 = vector.load %arg2[%get3A_14, %get3A_15, %get3A_16] : memref<1x32x512xf32, #tpu.memory_space<vmem>>, vector<1x32x512xf32>
    %get3A_18 = vector.shape_cast %get3A_17 : vector<1x32x512xf32> to vector<32x512xf32>
    %sub3A = arith.subf %transpose3A, %get3A_18 : vector<32x512xf32>
    %add3A = arith.addf %get3A_18, %sub3A : vector<32x512xf32>
    %dot_general3A = arith.constant dense<0.000000e+00> : vector<1024x512xf32>
    %dot_general3A_19 = tpu.matmul %div3A_10, %add3A, %dot_general3A {dimension_numbers = #tpu.dot_dimension_numbers<[1], [0], [0], [1], [0, 0, 1, 1], [], []>, transpose_lhs_hint = false} : vector<1024x32xf32>, vector<32x512xf32>, vector<1024x512xf32> -> vector<1024x512xf32>
    %get3A_20 = arith.constant 0 : index
    %get3A_21 = arith.constant 0 : index
    %get3A_22 = vector.load %arg5[%get3A_20, %get3A_21] : memref<1024x1xf32, #tpu.memory_space<vmem>>, vector<1024x1xf32>
    %add3A_23 = vector.broadcast %get3A_22 : vector<1024x1xf32> to vector<1024x512xf32>
    %add3A_24 = arith.addf %dot_general3A_19, %add3A_23 : vector<1024x512xf32>
    %swap3A = arith.constant 0 : index
    %swap3A_25 = arith.constant 0 : index
    %swap3A_26 = arith.constant 0 : index
    %swap3A_27 = vector.load %arg6[%swap3A, %swap3A_25, %swap3A_26] : memref<1x1024x512xf32, #tpu.memory_space<vmem>>, vector<1x1024x512xf32>
    %swap3A_28 = vector.shape_cast %swap3A_27 : vector<1x1024x512xf32> to vector<1024x512xf32>
    %swap3A_29 = vector.shape_cast %add3A_24 : vector<1024x512xf32> to vector<1x1024x512xf32>
    tpu.vector_store %arg6[%swap3A, %swap3A_25, %swap3A_26], %swap3A_29 {strides = array<i32>} : memref<1x1024x512xf32, #tpu.memory_space<vmem>>, vector<1x1024x512xf32>,
    %sub3A_30 = arith.subf %get3A_18, %transpose3A : vector<32x512xf32>
    %mul3A_31 = arith.mulf %sub3A_30, %sub3A_30 : vector<32x512xf32>
    %reduce_sum3A_32 = vector.shape_cast %mul3A_31 : vector<32x512xf32> to vector<1x32x512xf32>
    %reduce_sum3A_33 = arith.constant dense<0.000000e+00> : vector<1xf32>
    %reduce_sum3A_34 = vector.multi_reduction <add>, %reduce_sum3A_32, %reduce_sum3A_33 [1, 2] : vector<1x32x512xf32> to vector<1xf32>
    %reduce_sum3A_35 = vector.shape_cast %reduce_sum3A_34 : vector<1xf32> to vector<1x1x1xf32>
    %reduce_sum3A_36 = vector.extract %reduce_sum3A_35[0, 0, 0] : f32 from vector<1x1x1xf32>
    %jit3A = arith.constant 2 : i32
    %eq3A = arith.constant 0 : i32
    %eq3A_37 = arith.cmpi eq, %jit3A, %eq3A : i32
    %jit3A_38 = arith.constant 1 : i32
    %select_n3A = arith.select %eq3A_37, %jit3A_38, %jit3A : i32
    %rem3A = arith.remsi %arg0, %select_n3A : i32
    %ne3A = arith.constant 0 : i32
    %ne3A_39 = arith.cmpi ne, %rem3A, %ne3A : i32
    %lt3A = arith.constant 0 : i32
    %lt3A_40 = arith.cmpi slt, %rem3A, %lt3A : i32
    %lt3A_41 = arith.constant 0 : i32
    %lt3A_42 = arith.cmpi slt, %select_n3A, %lt3A_41 : i32
    %ne3A_43 = arith.xori %lt3A_40, %lt3A_42 : i1
    %and3A = arith.andi %ne3A_43, %ne3A_39 : i1
    %add3A_44 = arith.addi %rem3A, %select_n3A : i32
    %select_n3A_45 = arith.select %and3A, %add3A_44, %rem3A : i32
    %eq3A_46 = arith.constant 0 : i32
    %eq3A_47 = arith.cmpi eq, %select_n3A_45, %eq3A_46 : i32
    %convert_element_type3A = arith.extui %eq3A_47 : i1 to i32
    %cond3A = arith.constant 0 : i32
    %cond3A_48 = arith.cmpi ne, %convert_element_type3A, %cond3A : i32
    scf.if %cond3A_48 {
      %broadcast_in_dim3A_54 = vector.broadcast %reduce_sum3A_36 : f32 to vector<1x1x128xf32>
      %swap3A_55 = arith.constant 0 : index
      %swap3A_56 = arith.constant 0 : index
      %swap3A_57 = arith.constant 0 : index
      %swap3A_58 = vector.load %arg7[%swap3A_55, %swap3A_56, %swap3A_57] : memref<1x1x128xf32, #tpu.memory_space<vmem>>, vector<1x1x128xf32>
      tpu.vector_store %arg7[%swap3A_55, %swap3A_56, %swap3A_57], %broadcast_in_dim3A_54 {strides = array<i32>} : memref<1x1x128xf32, #tpu.memory_space<vmem>>, vector<1x1x128xf32>,
    } else {
    }
    %eq3A_49 = arith.constant 1 : i32
    %eq3A_50 = arith.cmpi eq, %select_n3A_45, %eq3A_49 : i32
    %convert_element_type3A_51 = arith.extui %eq3A_50 : i1 to i32
    %cond3A_52 = arith.constant 0 : i32
    %cond3A_53 = arith.cmpi ne, %convert_element_type3A_51, %cond3A_52 : i32
    scf.if %cond3A_53 {
      %get3A_54 = arith.constant 0 : index
      %get3A_55 = arith.constant 0 : index
      %get3A_56 = arith.constant 0 : index
      %get3A_57 = vector.load %arg7[%get3A_54, %get3A_55, %get3A_56] : memref<1x1x128xf32, #tpu.memory_space<vmem>>, vector<1x1x128xf32>
      %add3A_58 = vector.broadcast %reduce_sum3A_36 : f32 to vector<1x1x128xf32>
      %add3A_59 = arith.addf %get3A_57, %add3A_58 : vector<1x1x128xf32>
      %div3A_60 = arith.constant 3.276800e+04 : f32
      %div3A_61 = vector.broadcast %div3A_60 : f32 to vector<1x1x128xf32>
      %div3A_62 = arith.divf %add3A_59, %div3A_61 : vector<1x1x128xf32>
      %swap3A_63 = arith.constant 0 : index
      %swap3A_64 = arith.constant 0 : index
      %swap3A_65 = arith.constant 0 : index
      %swap3A_66 = vector.load %arg7[%swap3A_63, %swap3A_64, %swap3A_65] : memref<1x1x128xf32, #tpu.memory_space<vmem>>, vector<1x1x128xf32>
      tpu.vector_store %arg7[%swap3A_63, %swap3A_64, %swap3A_65], %div3A_62 {strides = array<i32>} : memref<1x1x128xf32, #tpu.memory_space<vmem>>, vector<1x1x128xf32>,
    } else {
    }
    return
  }
  func.func @transform_0(%arg0: i32) -> (i32, i32) {
    %c0_i32 = arith.constant 0 : i32
    %c0_i32_0 = arith.constant 0 : i32
    return %arg0, %c0_i32 : i32, i32
  }
  func.func @transform_1(%arg0: i32) -> (i32, i32, i32) {
    %jit3A = arith.constant 2 : i32
    %div3A = arith.divsi %arg0, %jit3A : i32
    %sign3A = arith.constant 0 : i32
    %sign3A_0 = arith.cmpi sgt, %arg0, %sign3A : i32
    %sign3A_1 = arith.extui %sign3A_0 : i1 to i32
    %sign3A_2 = arith.constant 0 : i32
    %sign3A_3 = arith.cmpi slt, %arg0, %sign3A_2 : i32
    %sign3A_4 = arith.extui %sign3A_3 : i1 to i32
    %sign3A_5 = arith.subi %sign3A_1, %sign3A_4 : i32
    %sign3A_6 = arith.constant 0 : i32
    %sign3A_7 = arith.cmpi sgt, %jit3A, %sign3A_6 : i32
    %sign3A_8 = arith.extui %sign3A_7 : i1 to i32
    %sign3A_9 = arith.constant 0 : i32
    %sign3A_10 = arith.cmpi slt, %jit3A, %sign3A_9 : i32
    %sign3A_11 = arith.extui %sign3A_10 : i1 to i32
    %sign3A_12 = arith.subi %sign3A_8, %sign3A_11 : i32
    %ne3A = arith.cmpi ne, %sign3A_5, %sign3A_12 : i32
    %rem3A = arith.remsi %arg0, %jit3A : i32
    %ne3A_13 = arith.constant 0 : i32
    %ne3A_14 = arith.cmpi ne, %rem3A, %ne3A_13 : i32
    %and3A = arith.andi %ne3A, %ne3A_14 : i1
    %sub3A = arith.constant 1 : i32
    %sub3A_15 = arith.subi %div3A, %sub3A : i32
    %select_n3A = arith.select %and3A, %sub3A_15, %div3A : i32
    %jit3A_16 = arith.constant 2 : i32
    %eq3A = arith.constant 0 : i32
    %eq3A_17 = arith.cmpi eq, %jit3A_16, %eq3A : i32
    %jit3A_18 = arith.constant 1 : i32
    %select_n3A_19 = arith.select %eq3A_17, %jit3A_18, %jit3A_16 : i32
    %rem3A_20 = arith.remsi %arg0, %select_n3A_19 : i32
    %ne3A_21 = arith.constant 0 : i32
    %ne3A_22 = arith.cmpi ne, %rem3A_20, %ne3A_21 : i32
    %lt3A = arith.constant 0 : i32
    %lt3A_23 = arith.cmpi slt, %rem3A_20, %lt3A : i32
    %lt3A_24 = arith.constant 0 : i32
    %lt3A_25 = arith.cmpi slt, %select_n3A_19, %lt3A_24 : i32
    %ne3A_26 = arith.xori %lt3A_23, %lt3A_25 : i1
    %and3A_27 = arith.andi %ne3A_26, %ne3A_22 : i1
    %add3A = arith.addi %rem3A_20, %select_n3A_19 : i32
    %select_n3A_28 = arith.select %and3A_27, %add3A, %rem3A_20 : i32
    %c0_i32 = arith.constant 0 : i32
    %c0_i32_29 = arith.constant 0 : i32
    return %select_n3A, %c0_i32, %select_n3A_28 : i32, i32, i32
  }
  func.func @transform_2(%arg0: i32) -> (i32, i32) {
    %c0_i32 = arith.constant 0 : i32
    %c0_i32_0 = arith.constant 0 : i32
    %c0_i32_1 = arith.constant 0 : i32
    return %c0_i32, %c0_i32_0 : i32, i32
  }
  func.func @transform_3(%arg0: i32) -> (i32, i32) {
    %c0_i32 = arith.constant 0 : i32
    %c0_i32_0 = arith.constant 0 : i32
    %c0_i32_1 = arith.constant 0 : i32
    return %c0_i32, %c0_i32_0 : i32, i32
  }
  func.func @transform_4(%arg0: i32) -> (i32, i32) {
    %c0_i32 = arith.constant 0 : i32
    %c0_i32_0 = arith.constant 0 : i32
    %c0_i32_1 = arith.constant 0 : i32
    return %c0_i32, %c0_i32_0 : i32, i32
  }
  func.func @transform_5(%arg0: i32) -> (i32, i32, i32) {
    %jit3A = arith.constant 2 : i32
    %div3A = arith.divsi %arg0, %jit3A : i32
    %sign3A = arith.constant 0 : i32
    %sign3A_0 = arith.cmpi sgt, %arg0, %sign3A : i32
    %sign3A_1 = arith.extui %sign3A_0 : i1 to i32
    %sign3A_2 = arith.constant 0 : i32
    %sign3A_3 = arith.cmpi slt, %arg0, %sign3A_2 : i32
    %sign3A_4 = arith.extui %sign3A_3 : i1 to i32
    %sign3A_5 = arith.subi %sign3A_1, %sign3A_4 : i32
    %sign3A_6 = arith.constant 0 : i32
    %sign3A_7 = arith.cmpi sgt, %jit3A, %sign3A_6 : i32
    %sign3A_8 = arith.extui %sign3A_7 : i1 to i32
    %sign3A_9 = arith.constant 0 : i32
    %sign3A_10 = arith.cmpi slt, %jit3A, %sign3A_9 : i32
    %sign3A_11 = arith.extui %sign3A_10 : i1 to i32
    %sign3A_12 = arith.subi %sign3A_8, %sign3A_11 : i32
    %ne3A = arith.cmpi ne, %sign3A_5, %sign3A_12 : i32
    %rem3A = arith.remsi %arg0, %jit3A : i32
    %ne3A_13 = arith.constant 0 : i32
    %ne3A_14 = arith.cmpi ne, %rem3A, %ne3A_13 : i32
    %and3A = arith.andi %ne3A, %ne3A_14 : i1
    %sub3A = arith.constant 1 : i32
    %sub3A_15 = arith.subi %div3A, %sub3A : i32
    %select_n3A = arith.select %and3A, %sub3A_15, %div3A : i32
    %jit3A_16 = arith.constant 2 : i32
    %eq3A = arith.constant 0 : i32
    %eq3A_17 = arith.cmpi eq, %jit3A_16, %eq3A : i32
    %jit3A_18 = arith.constant 1 : i32
    %select_n3A_19 = arith.select %eq3A_17, %jit3A_18, %jit3A_16 : i32
    %rem3A_20 = arith.remsi %arg0, %select_n3A_19 : i32
    %ne3A_21 = arith.constant 0 : i32
    %ne3A_22 = arith.cmpi ne, %rem3A_20, %ne3A_21 : i32
    %lt3A = arith.constant 0 : i32
    %lt3A_23 = arith.cmpi slt, %rem3A_20, %lt3A : i32
    %lt3A_24 = arith.constant 0 : i32
    %lt3A_25 = arith.cmpi slt, %select_n3A_19, %lt3A_24 : i32
    %ne3A_26 = arith.xori %lt3A_23, %lt3A_25 : i1
    %and3A_27 = arith.andi %ne3A_26, %ne3A_22 : i1
    %add3A = arith.addi %rem3A_20, %select_n3A_19 : i32
    %select_n3A_28 = arith.select %and3A_27, %add3A, %rem3A_20 : i32
    %c0_i32 = arith.constant 0 : i32
    %c0_i32_29 = arith.constant 0 : i32
    return %select_n3A, %c0_i32, %select_n3A_28 : i32, i32, i32
  }
  func.func @transform_6(%arg0: i32) -> (i32, i32, i32) {
    %jit3A = arith.constant 2 : i32
    %div3A = arith.divsi %arg0, %jit3A : i32
    %sign3A = arith.constant 0 : i32
    %sign3A_0 = arith.cmpi sgt, %arg0, %sign3A : i32
    %sign3A_1 = arith.extui %sign3A_0 : i1 to i32
    %sign3A_2 = arith.constant 0 : i32
    %sign3A_3 = arith.cmpi slt, %arg0, %sign3A_2 : i32
    %sign3A_4 = arith.extui %sign3A_3 : i1 to i32
    %sign3A_5 = arith.subi %sign3A_1, %sign3A_4 : i32
    %sign3A_6 = arith.constant 0 : i32
    %sign3A_7 = arith.cmpi sgt, %jit3A, %sign3A_6 : i32
    %sign3A_8 = arith.extui %sign3A_7 : i1 to i32
    %sign3A_9 = arith.constant 0 : i32
    %sign3A_10 = arith.cmpi slt, %jit3A, %sign3A_9 : i32
    %sign3A_11 = arith.extui %sign3A_10 : i1 to i32
    %sign3A_12 = arith.subi %sign3A_8, %sign3A_11 : i32
    %ne3A = arith.cmpi ne, %sign3A_5, %sign3A_12 : i32
    %rem3A = arith.remsi %arg0, %jit3A : i32
    %ne3A_13 = arith.constant 0 : i32
    %ne3A_14 = arith.cmpi ne, %rem3A, %ne3A_13 : i32
    %and3A = arith.andi %ne3A, %ne3A_14 : i1
    %sub3A = arith.constant 1 : i32
    %sub3A_15 = arith.subi %div3A, %sub3A : i32
    %select_n3A = arith.select %and3A, %sub3A_15, %div3A : i32
    %c0_i32 = arith.constant 0 : i32
    %c0_i32_16 = arith.constant 0 : i32
    %c0_i32_17 = arith.constant 0 : i32
    return %select_n3A, %c0_i32, %c0_i32_16 : i32, i32, i32
  }
}

</mosaic_0001>

<sc_bundles>
// kernel: kernel.5.cloned.1.call-start
scs
__scs_entry_jumppad:
0x0: {  	(pc) =	sbr.rel $0x88, $3  }
0x1: {  	(tag) =	ssettag $0x0;
	lr =	simm.s32 $0x1  }
0x2: {  	[smem:$0x3F99] =	sst lr;
	_ =	strace $0xD0000000  }
0x3: {  	_ = 	snop  }
0x4: {  	_ = 	snop  }
0x5: {  	_ = 	snop  }
0x6: {  	_ = 	snop  }
0x7: {  	_ = 	snop  }
__scs_overlays_trampoline_lowered:
0x8: {  	[smem:$0x3FA8] =	sst s0  }
0x9: {  	[smem:$0x3FA9] =	sst s1  }
0xa: {  	[smem:$0x3FAA] =	sst s2  }
0xb: {  	[smem:$0x3FAB] =	sst s3  }
0xc: {  	[smem:$0x3FAC] =	sst s4  }
0xd: {  	[smem:$0x3FAD] =	sst s5  }
0xe: {  	[smem:$0x3FAE] =	sst s6  }
0xf: {  	[smem:$0x3FAF] =	sst s7  }
0x10: {  	[smem:$0x3FB0] =	sst s8  }
0x11: {  	[smem:$0x3FB1] =	sst s9;
	s0 =	simm.s32 @!p0 $0x0  }
0x12: {  	s1 =	sld [smem:$0x3F97];
	s0 =	simm.s32 @p0 $0x1  }
0x13: {  	[smem:$0x3FB2] =	sst s0;
	s0 =	simm.s32 @!p1 $0x0  }
0x14: {  	s2 =	sld [smem:$0x3F96];
	s0 =	simm.s32 @p1 $0x1  }
0x15: {  	[smem:$0x3FB3] =	sst s0;
	s0 =	simm.s32 @!p2 $0x0  }
0x16: {  	s3 =	sld [smem:$0x3FDB];
	s0 =	simm.s32 @p2 $0x1  }
0x17: {  	s4 =	simm.s32 $0x1BF5;
	[smem:$0x3FB5] =	sst s0  }
0x18: {  	s0 =	sld [smem:$0x3F98];
	_ =	swait.ge [sflag:s4], $0x0  }
0x19: {  	s7 =	sld [smem:$0x3F99]  }
0x1a: {  	s8 =	sadd.s32 $0xFFFFE003, lr  }
0x1b: {  	s9 =	sadd.s32 $0xFFFFFEF7, lr;
	s5 =	simm.s32 $0xFFFFFFFF;
	p2 =	slt.u32 s8, $0xFFFFF086  }
0x1c: {  	p1 =	slt.u32 s9, $0xF7A;
	s5 =	simm.s32 @!p2 $0x0  }
0x1d: {  	s5 =	simm.s32 @p1 $0x1;
	p0 =	seq.s32 s7, s2  }
0x1e: {  	s7 =	smul.u32 @!p0 $0xF7A, s2;
	p2 =	seq.s32 @!p0 s5, $0x0  }
0x1f: {  	s9 =	smul.u32 $0xF7A, s1;
	s8 =	simm.s32 @!p0 $0x1BF5;
	p2 =	por !p2, p0  }
0x20: {  	[sflag:s8] =	ssyncset.s32 @!p0 $0xFFFFF086;
	s6 =	sadd.s32 @!p0 s3, s7;
	s7 =	simm.s32 @!p0 $0x108  }
0x21: {  	s3 =	sadd.s32 s3, s9;
	s6 =	sadd.s32 @!p0 $0x88, s6;
	s7 =	simm.s32 @p2 $0x1082  }
0x22: {  	[simem:s7], [sflag:s8] =	dma.local @!p0 [hbm:s6], $0xF7A  }
0x23: {  	s9 =	sor.u32 $0xD0000000, s2;
	s6 =	simm.s32 $0x108;
	_ =	swait.ge @!p0 [sflag:s8], $0x0  }
0x24: {  	s3 =	sadd.s32 $0x88, s3;
	s6 =	simm.s32 @!p1 $0x1082;
	[sflag:s4] =	ssyncset.s32 $0xFFFFF086  }
0x25: {  	[simem:s6], [sflag:s4] =	dma.local [hbm:s3], $0xF7A  }
0x26: {  	[smem:$0x3F99] =	sst s1;
	(tag) =	ssettag s2;
	_ =	strace s9  }
0x27: {  	s1 =	sld [smem:$0x3FA9]  }
0x28: {  	s2 =	sld [smem:$0x3FAA]  }
0x29: {  	s4 =	sld [smem:$0x3FAC]  }
0x2a: {  	p0 =	seq.s32 s5, $0x0;
	s5 =	sld [smem:$0x3FAD]  }
0x2b: {  	s6 =	sld [smem:$0x3FAE]  }
0x2c: {  	s7 =	sld [smem:$0x3FAF]  }
0x2d: {  	s3 =	simm.s32 $0x108;
	s8 =	sld [smem:$0x3FB0]  }
0x2e: {  	s3 =	simm.s32 @!p0 $0x1082;
	s9 =	sld [smem:$0x3FB1]  }
0x2f: {  	lr =	sadd.s32 s0, s3;
	s0 =	sld [smem:$0x3FA8]  }
0x30: {  	s3 =	sld [smem:$0x3FAB]  }
0x31: {  	[smem:$0x3FB4] =	sst s10  }
0x32: {  	s10 =	sld [smem:$0x3FB2];
	_ =	sdelay $0x3  }
0x33: {  	p0 =	seq.s32 s10, $0x1;
	s10 =	sld [smem:$0x3FB4];
	_ =	sdelay $0x3  }
0x34: {  	[smem:$0x3FB4] =	sst s10  }
0x35: {  	s10 =	sld [smem:$0x3FB3];
	_ =	sdelay $0x3  }
0x36: {  	p1 =	seq.s32 s10, $0x1;
	s10 =	sld [smem:$0x3FB4];
	_ =	sdelay $0x3  }
0x37: {  	[smem:$0x3FB4] =	sst s10  }
0x38: {  	s10 =	sld [smem:$0x3FB5]  }
0x39: {  	_ = 	snop;
	(pc) =	sbr.ind lr, $3  }
0x3a: {  	_ = 	snop  }
0x3b: {  	_ = 	snop  }
0x3c: {  	p2 =	seq.s32 s10, $0x1;
	s10 =	sld [smem:$0x3FB4]  }
0x3d: {  	_ =	shalt  }
0x3e: {  	_ =	shalt  }
0x3f: {  	_ =	shalt  }
0x40: {  	_ =	shalt  }
0x41: {  	_ =	shalt  }
0x42: {  	_ =	shalt  }
0x43: {  	_ =	shalt  }
0x44: {  	_ =	shalt  }
0x45: {  	_ =	shalt  }
0x46: {  	_ =	shalt  }
0x47: {  	_ =	shalt  }
0x48: {  	_ =	shalt  }
0x49: {  	_ =	shalt  }
0x4a: {  	_ =	shalt  }
0x4b: {  	_ =	shalt  }
0x4c: {  	_ =	shalt  }
0x4d: {  	_ =	shalt  }
0x4e: {  	_ =	shalt  }
0x4f: {  	_ =	shalt  }
0x50: {  	_ =	shalt  }
0x51: {  	_ =	shalt  }
0x52: {  	_ =	shalt  }
0x53: {  	_ =	shalt  }
0x54: {  	_ =	shalt  }
0x55: {  	_ =	shalt  }
0x56: {  	_ =	shalt  }
0x57: {  	_ =	shalt  }
0x58: {  	_ =	shalt  }
0x59: {  	_ =	shalt  }
0x5a: {  	_ =	shalt  }
0x5b: {  	_ =	shalt  }
0x5c: {  	_ =	shalt  }
0x5d: {  	_ =	shalt  }
0x5e: {  	_ =	shalt  }
0x5f: {  	_ =	shalt  }
0x60: {  	_ =	shalt  }
0x61: {  	_ =	shalt  }
0x62: {  	_ =	shalt  }
0x63: {  	_ =	shalt  }
0x64: {  	_ =	shalt  }
0x65: {  	_ =	shalt  }
0x66: {  	_ =	shalt  }
0x67: {  	_ =	shalt  }
0x68: {  	_ =	shalt  }
0x69: {  	_ =	shalt  }
0x6a: {  	_ =	shalt  }
0x6b: {  	_ =	shalt  }
0x6c: {  	_ =	shalt  }
0x6d: {  	_ =	shalt  }
0x6e: {  	_ =	shalt  }
0x6f: {  	_ =	shalt  }
0x70: {  	_ =	shalt  }
0x71: {  	_ =	shalt  }
0x72: {  	_ =	shalt  }
0x73: {  	_ =	shalt  }
0x74: {  	_ =	shalt  }
0x75: {  	_ =	shalt  }
0x76: {  	_ =	shalt  }
0x77: {  	_ =	shalt  }
0x78: {  	_ =	shalt  }
0x79: {  	_ =	shalt  }
0x7a: {  	_ =	shalt  }
0x7b: {  	_ =	shalt  }
0x7c: {  	_ =	shalt  }
0x7d: {  	_ =	shalt  }
0x7e: {  	_ =	shalt  }
0x7f: {  	_ =	shalt  }
0x80: {  	_ =	shalt  }
0x81: {  	_ =	shalt  }
0x82: {  	_ =	shalt  }
0x83: {  	_ =	shalt  }
0x84: {  	_ =	shalt  }
0x85: {  	_ =	shalt  }
0x86: {  	_ =	shalt  }
0x87: {  	_ =	shalt  }
.Lfunc_end0:
.L_simem_size_0:
called_computation_lowered:
.L_overlay_start_0:
0x88: {  	s2 =	sld [smem:$0x3FD9]  }
0x89: {  	s3 =	sld [smem:$0x3FFE];
	_ =	sdelay $0x1  }
0x8a: {  	s1 =	srdreg.scid  }
0x8b: {  	s0 =	sand.u32 $0x1, s1  }
0x8c: {  	s14 =	sshll.u32 s0, $0xA;
	s2 =	sadd.s32 s3, s2  }
0x8d: {  	s2 =	sadd.s32 s2, s14  }
0x8e: {  	[smem:$0x3FC0] =	sst s2  }
0x8f: {  	_ = 	snop  }
0x90: {  	s2 =	sld [smem:$0x3FD0];
	_ =	sdelay $0x2  }
0x91: {  	s15 =	simm.s32 $0xA;
	s4 =	simm.s32 $0x10  }
0x92: {  	[smem:s4], [sflag:s15] =	dma.local [hbm:s2], $0x1  }
0x93: {  	_ =	swait.eq [sflag:s15], $0x1  }
0x94: {  	[sflag:s15] =	ssyncset.done $0x0  }
0x95: {  	[sflag:s15] =	ssyncadd.s32 $0xFFFFFFFF  }
0x96: {  	s16 =	sld [smem:$0x10];
	(tm) =	ssettm $0x1  }
0x97: {  	s17 =	sld [smem:$0x3FFB];
	_ =	sdelay $0x3  }
0x98: {  	_ =	strace s17  }
0x99: {  	s3 =	sld [smem:$0x3FFC];
	_ =	sdelay $0x3  }
0x9a: {  	_ =	strace s3  }
0x9b: {  	s3 =	sld [smem:$0x3FFD];
	_ =	sdelay $0x3  }
0x9c: {  	_ =	strace s3  }
0x9d: {  	_ =	strace $0x8FFFFFFF  }
0x9e: {  	s18 =	sld [smem:$0x3FDB];
	_ =	sdelay $0x1  }
0x9f: {  	s19 =	simm.s32 $_scs_section_size  }
0xa0: {  	s5 =	simm.s32 $_size__tile_overlayer_lowered;
	s6 =	simm.s32 $_tile_overlayer_lowered  }
0xa1: {  	s22 =	simm.s32 $0x1BFF;
	s21 =	sshll.u32 s6, $0x1;
	s3 =	sadd.s32 s19, s18  }
0xa2: {  	s7 =	simm.s32 $0x0;
	s20 =	sshll.u32 s5, $0x1;
	s5 =	sadd.s32 s21, s3  }
0xa3: {  	[timem:s7], [sflag:s22] =	dma.local [hbm:s5], s20  }
0xa4: {  	_ =	swait.ge [sflag:s22], s20  }
0xa5: {  	s4 =	ssub.s32 $0x0, s20;
	[sflag:s22] =	ssyncset.done $0x0  }
0xa6: {  	[sflag:s22] =	ssyncadd.s32 s4;
	_ =	sdelay $0x1  }
0xa7: {  	s23 =	simm.s32 $0x1B8B  }
0xa8: {  	_ =	swait.ge [sflag:s23], $0x1  }
0xa9: {  	[sflag:s23] =	ssyncset.done $0x0  }
0xaa: {  	s25 =	simm.s32 $0x1B8E;
	s24 =	sld [smem:$0x3FFE];
	[sflag:s23] =	ssyncadd.s32 $0xFFFFFFFF  }
0xab: {  	s26 =	simm.s32 $execute0_lowered;
	[smem:$0x3FD2] =	sst s25  }
0xac: {  	s5 =	sshll.u32 s26, $0x1;
	_ =	strace $0x80000046;
	[dreg:$0x1] =	wrdreg $0xFFFFFFFF  }
0xad: {  	s28 =	simm.s32 $_size_execute0_lowered;
	s3 =	sadd.s32 s3, s5;
	[dreg:$0x0] =	wrdreg $0x0  }
0xae: {  	s5 =	sshll.u32 s28, $0x1;
	[dreg:$0x2] =	wrdreg s3  }
0xaf: {  	[dreg:$0x3] =	wrdreg s5  }
0xb0: {  	[dreg:$0x4] =	wrdreg $0xC0  }
0xb1: {  	_ =	task [dreg:s7], $0x5FFFF  }
0xb2: {  	[dreg:$0x1] =	wrdreg $0xFFFFFFFF  }
0xb3: {  	[dreg:$0x0] =	wrdreg $0x60  }
0xb4: {  	[dreg:$0x2] =	wrdreg s16  }
0xb5: {  	[dreg:$0x3] =	wrdreg s24  }
0xb6: {  	[dreg:$0x4] =	wrdreg $0x9  }
0xb7: {  	_ =	task.clear_ibuf [dreg:s7], $0x5FFFF;
	_ =	strace $0x90000046  }
0xb8: {  	s29 =	simm.s32 $0x9;
	_ =	strace $0x80000048  }
0xb9: {  	_ =	swait.ge [sflag:s29], $0x1  }
0xba: {  	[sflag:s29] =	ssyncadd.s32 $0xFFFFFFFF  }
0xbb: {  	_ =	strace $0x90000048  }
0xbc: {  	_ =	sfence  }
0xbd: {  	s30 =	sld [smem:$0x0];
	_ =	sdelay $0x2  }
0xbe: {  	s31 =	sshll.u32 s1, $0xD;
	s1 =	sshrl.u32 s1, $0x2  }
0xbf: {  	s3 =	sand.u32 $0x4000, s31;
	s1 =	sadd.s32 s1, s30  }
0xc0: {  	s0 =	sor.u32 s3, s0;
	s1 =	sshll.u32 s1, $0x11  }
0xc1: {  	s0 =	sor.u32 s1, s0  }
0xc2: {  	s0 =	sadd.s32 $0x8F2B, s0  }
0xc3: {  	[sflag:s0] =	ssyncadd.remote.s32 $0x1  }
0xc4: {  	_ =	sfence.sel $0xFFFF  }
0xc5: {  	[dreg:$0x0] =	wrdreg $0xFFFFFFFF;
	(pc) =	sbr.abs _section_cstart, $3  }
0xc6: {  	[dreg:$0x1] =	wrdreg $0xFFFFFFFF  }
0xc7: {  	_ =	task.clear_ibuf [dreg:s7], $0x2FFFF;
	_ =	strace $0x9FFFFFFF  }
0xc8: {  	(tm) =	ssettm $0x7FFFFFFF  }
0xc9: {  	_ =	shalt  }
tec
execute0_lowered:
.L_overlay_start_1:
0x0: {  	(tag) =	ssettag $0x1  }
0x1: {  	s1 =	srdreg.scid;
	s0 =	stileid.u32  }
0x2: {  	s2 =	rddreg [dreg:$0x0];
	s10 =	sand.u32 $0x1, s1;
	s29 =	sshll.u32 s0, $0x1  }
0x3: {  	s11 =	rddreg [dreg:$0x1];
	s12 =	sor.u32 s10, s29  }
0x4: {  	s3 =	simm.s32 $0x0;
	s1 =	rddreg [dreg:$0x2];
	s4 =	sshll.u32 s12, $0x5  }
0x5: {  	[smem:$0x7FF] =	sst s3;
	s4 =	sadd.s32 s4, s11  }
0x6: {  	_ =	strace $0x80000047;
	s5 =	sadd.s32 $0x1000, s4;
	s4 =	simm.s32 $0x2  }
0x7: {  	[tilespmem:s3], [sflag:$0x2] =	stream.linear.gather [hbm4b:s5+s3], $0x100, $0x38;
	[tilespmem:$0x8100] =	vst v63  }
0x8: {  	_ =	swait.ge [sflag:s4], $0x100  }
0x9: {  	[sflag:s4] =	ssyncset.done $0x0  }
0xa: {  	s6 =	simm.s32 $0x80;
	s7 =	simm.s32 $0x100;
	[sflag:s4] =	ssyncadd.s32 $0xFFFFFF00  }
0xb: {  	[tilespmem:s7], [sflag:$0x1] =	stream.indirect.gather [hbm4b:s2+s6], $0x80, s3, s6, $0xb8;
	[tilespmem:$0x8100] =	vst v63  }
0xc: {  	s8 =	simm.s32 $0x4100;
	s9 =	simm.s32 $0x1;
	s10 =	ssub.s32 $0x2, s10  }
0xd: {  	[tilespmem:s8], [sflag:$0x1] =	stream.indirect.gather [hbm4b:s2+s6], $0x80, s6, s6, $0xb8;
	[tilespmem:$0x8100] =	vst v63  }
0xe: {  	s13 =	sshrl.u32 s10, $0x1;
	_ =	swait.ge [sflag:s9], $0x4000  }
0xf: {  	s30 =	ssub.s32 s10, s13;
	[sflag:s9] =	ssyncset.done $0x0  }
0x10: {  	s31 =	smax.u32 s30, $0x1;
	[sflag:s9] =	ssyncadd.s32 $0xFFFFC000  }
0x11: {  	s12 =	sshll.u32 s12, $0xC;
	p0 =	sne.s32 s31, $0x1;
	_ =	swait.ge [sflag:s9], $0x4000  }
.Ltmp0:
0x12: {  	s11 =	sadd.s32 s12, s11;
	[sflag:s9] =	ssyncset.done $0x0;
	(pc) =	sbr.rel @!p0 .LBB2_2-.Ltmp0, $4  }
0x13: {  	s10 =	sadd.s32 $0x1400, s11;
	[sflag:s9] =	ssyncadd.s32 $0xFFFFC000  }
0x14: {  	[hbm4b:s10+s3] =	stream.linear.scatter [tilespmem:s7], [sflag:$0x2], $0x8000, $0x38;
	[tilespmem:$0x8100] =	vst v63  }
0x15: {  	_ =	swait.ge [sflag:s4], $0x8000  }
0x16: {  	s11 =	sadd.s32 $0xFFFFFFFF, s31;
	[sflag:s4] =	ssyncset.done $0x0  }
.LBB2_1:
0x17: {  	p0 =	sne.s32 s11, $0x1;
	s11 =	sadd.s32 $0xFFFFFFFF, s11;
	[sflag:s4] =	ssyncadd.s32 $0xFFFF8000  }
0x18: {  	[tilespmem:s3], [sflag:$0x2] =	stream.linear.gather [hbm4b:s5+s3], $0x100, $0x38;
	[tilespmem:$0x8100] =	vst v63  }
0x19: {  	_ =	swait.ge [sflag:s4], $0x100  }
0x1a: {  	[sflag:s4] =	ssyncset.done $0x0  }
0x1b: {  	[sflag:s4] =	ssyncadd.s32 $0xFFFFFF00  }
0x1c: {  	[tilespmem:s7], [sflag:$0x1] =	stream.indirect.gather [hbm4b:s2+s6], $0x80, s3, s6, $0xb8;
	[tilespmem:$0x8100] =	vst v63  }
0x1d: {  	_ = 	snop  }
0x1e: {  	[tilespmem:s8], [sflag:$0x1] =	stream.indirect.gather [hbm4b:s2+s6], $0x80, s6, s6, $0xb8;
	[tilespmem:$0x8100] =	vst v63  }
0x1f: {  	_ =	swait.ge [sflag:s9], $0x4000  }
0x20: {  	[sflag:s9] =	ssyncset.done $0x0  }
0x21: {  	[sflag:s9] =	ssyncadd.s32 $0xFFFFC000  }
0x22: {  	_ =	swait.ge [sflag:s9], $0x4000  }
.Ltmp1:
0x23: {  	[sflag:s9] =	ssyncset.done $0x0;
	(pc) =	sbr.rel @p0 .LBB2_1-.Ltmp1, $4  }
0x24: {  	[sflag:s9] =	ssyncadd.s32 $0xFFFFC000  }
0x25: {  	[hbm4b:s10+s3] =	stream.linear.scatter [tilespmem:s7], [sflag:$0x2], $0x8000, $0x38;
	[tilespmem:$0x8100] =	vst v63  }
0x26: {  	_ =	swait.ge [sflag:s4], $0x8000  }
0x27: {  	[sflag:s4] =	ssyncset.done $0x0  }
.LBB2_2:
0x28: {  	[sflag:s4] =	ssyncadd.s32 $0xFFFF8000  }
0x29: {  	_ =	sfence.sel $0x180000  }
0x2a: {  	[bflag:$0x0] =	sbarrier.arrive $0xFFFF  }
0x2b: {  	p0 =	sne.s32 s0, $0x0;
	_ =	strace $0x90000047  }
0x2c: {  	s0 =	sadd.s32 @!p0 $0x100000, s1;
	[bflag:$0x2] =	sbarrier.arrive $0xFFFF  }
0x2d: {  	[sflag:s0] =	ssyncadd.tile.s32 @!p0 $0x1;
	_ =	shalt  }
.Lfunc_end2:
_tile_overlayer_lowered:
.L_overlay_start_2:
0x2e: {  	(tag) =	ssettag $0x2  }
0x2f: {  	s0 =	rddreg [dreg:$0x0];
	s2 =	stileid.u32  }
0x30: {  	s1 =	rddreg [dreg:$0x1];
	p0 =	sne.s32 s2, $0x0  }
0x31: {  	s3 =	rddreg [dreg:$0x2];
	[bflag:$0x3] =	sbarrier.arrive $0xFFFF;
	s2 =	simm.s32 @!p0 $0x1C02  }
0x32: {  	[timem:s3], [sflag:s2] =	dma.local @!p0 [hbm:s0], s1  }
0x33: {  	s0 =	simm.s32 @!p0 $0x2  }
0x34: {  	_ =	swait.ge @!p0 [sflag:s0], s1  }
0x35: {  	s1 =	ssub.s32 @!p0 $0x0, s1;
	[sflag:s0] =	ssyncset.done @!p0 $0x0  }
0x36: {  	[sflag:s0] =	ssyncadd.s32 @!p0 s1  }
0x37: {  	[bflag:$0x3] =	sbarrier.arrive $0xFFFF  }
0x38: {  	_ =	shalt  }

</sc_bundles>
